<compile_context>
chip_gen: v7x
topology: tpu7x:2x2x1
jax: 0.10.2.dev20260603
libtpu: 0.0.44.dev20260713+nightly
codegen_flags: <defaults>
</compile_context>

<pallas_src>
import functools

import jax
import jax.numpy as jnp
from jax import lax
from jax.experimental import pallas as pl
from jax.experimental.pallas import tpu as pltpu
from jax.experimental.pallas import tpu_sc as plsc

_M = 10000
_B = 4096
_IMG = (3, 32, 32)
_J = 3 * 32 * 32

_NC = 2
_NS = 16
_NW = _NC * _NS
_PPW = _J // _NW
_PB = 8
_NBLK = _PPW // _PB
_L = 16
_BPW = _B // _NW


def _mask_body(keys_ref, vals_ref, upd_ref):
  pid = pl.program_id(0)
  kb = keys_ref[0, pl.ds(pid * _BPW, _BPW)]
  kall = keys_ref[...].reshape(1, _B)
  i_col = pid * _BPW + lax.broadcasted_iota(jnp.int32, (_BPW, 1), 0)
  j_row = lax.broadcasted_iota(jnp.int32, (1, _B), 1)
  dup = jnp.where((kb.reshape(_BPW, 1) == kall) & (j_row > i_col), 1, 0)
  active = jnp.max(dup, axis=1) == 0
  vb = vals_ref[0, pl.ds(pid * _BPW, _BPW)]
  u = jnp.where(active, kb | (vb << 14), -1)
  upd_ref[0, pl.ds(pid * _BPW, _BPW)] = u


_mask_call = pl.pallas_call(
    _mask_body,
    grid=(_NW,),
    in_specs=[pl.BlockSpec((1, _B), lambda i: (0, 0))] * 2,
    out_specs=pl.BlockSpec((1, _B), lambda i: (0, 0)),
    out_shape=jax.ShapeDtypeStruct((1, _B), jnp.int32),
)


def _sc_body(mem_hbm, x_hbm, upd_hbm, labf_hbm, yf_hbm,
             out_hbm, labf_out_hbm,
             upd_a, pb, xb, sin, sx, sout):
  wid = lax.axis_index("s") * _NC + lax.axis_index("c")
  base = wid * _PPW

  pltpu.sync_copy(upd_hbm, upd_a)

  @pl.when(wid == 0)
  def _():
    pltpu.sync_copy(labf_hbm, pb.at[0])
    pltpu.sync_copy(yf_hbm, pb.at[1, pl.ds(0, _B)])

    def lbody(t, c):
      u = upd_a[pl.ds(t * _L, _L)]
      mv = u >= 0
      kv = u & 16383
      vv = lax.shift_right_logical(u, 14)
      yv = plsc.load_gather(pb, [jnp.full((_L,), 1, jnp.int32), _B * 0 + vv],
                            mask=mv)
      plsc.store_scatter(pb, [jnp.full((_L,), 0, jnp.int32), kv], yv, mask=mv)
      return c

    lax.fori_loop(0, _B // _L, lbody, 0)
    pltpu.sync_copy(pb.at[0], labf_out_hbm)

  def block(k, c):
    j8 = base + k * _PB

    @pl.when(k > 0)
    def _():
      pltpu.make_async_copy(pb, out_hbm.at[pl.ds(base, _PB)], sout).wait()

    cin = pltpu.async_copy(mem_hbm.at[pl.ds(j8, _PB)], pb, sin)
    cx = pltpu.async_copy(x_hbm.at[pl.ds(j8, _PB)], xb, sx)
    cin.wait()
    cx.wait()

    def patch(t, c2):
      u = upd_a[pl.ds(t * _L, _L)]
      mv = u >= 0
      kv = u & 16383
      vv = lax.shift_right_logical(u, 14)
      for p in range(_PB):
        pv = jnp.full((_L,), p, jnp.int32)
        xv = plsc.load_gather(xb, [pv, vv], mask=mv)
        plsc.store_scatter(pb, [pv, kv], xv, mask=mv)
      return c2

    lax.fori_loop(0, _B // _L, patch, 0)
    pltpu.async_copy(pb, out_hbm.at[pl.ds(j8, _PB)], sout)
    return c

  lax.fori_loop(0, _NBLK, block, 0)
  pltpu.make_async_copy(pb, out_hbm.at[pl.ds(base, _PB)], sout).wait()


@functools.cache
def _get_sc_call():
  return functools.partial(
      pl.kernel,
      out_type=(
          jax.ShapeDtypeStruct((_J, _M), jnp.float32),
          jax.ShapeDtypeStruct((_M,), jnp.float32),
      ),
      mesh=plsc.VectorSubcoreMesh(core_axis_name="c", subcore_axis_name="s"),
      compiler_params=pltpu.CompilerParams(needs_layout_passes=False),
      scratch_types=[
          pltpu.VMEM((_B,), jnp.int32),
          pltpu.VMEM((_PB, _M), jnp.float32),
          pltpu.VMEM((_PB, _B), jnp.float32),
          pltpu.SemaphoreType.DMA,
          pltpu.SemaphoreType.DMA,
          pltpu.SemaphoreType.DMA,
      ],
  )(_sc_body)


def kernel(mem, buffer_label, idx_keys, idx_vals, x, y):
  upd = _mask_call(idx_keys.reshape(1, _B), idx_vals.reshape(1, _B))
  mem_t = mem.transpose(1, 2, 3, 0).reshape(_J, _M)
  x_t = x.transpose(1, 2, 3, 0).reshape(_J, _B)
  labf = lax.bitcast_convert_type(buffer_label, jnp.float32)
  yf = lax.bitcast_convert_type(y, jnp.float32)
  out_t, out_labf = _get_sc_call()(mem_t, x_t, upd.reshape(_B), labf, yf)
  out_mem = out_t.reshape(_IMG + (_M,)).transpose(3, 0, 1, 2)
  return out_mem, lax.bitcast_convert_type(out_labf, jnp.int32)

# --- scband reference (transcript-rebuilt; emitter-appended) ---
"""Pipeline reference for scband-test-buffer-23708219474572 (READ-ONLY COPY).

The authoritative reference and input builder live on the scoring server;
editing this copy changes nothing except your own understanding.
"""

import jax, jax.numpy as jnp
import numpy as np

M = 10000
B = 4096
IMG = (3, 32, 32)
NUM_CLASSES = 100


def setup_inputs(seed: int = 0) -> dict:
    key = jax.random.key(seed)
    k1, k2, k3, k4 = jax.random.split(key, 4)
    mem = jnp.zeros((M,) + IMG, dtype=jnp.float32)
    buffer_label = jnp.zeros((M,), dtype=jnp.int64) if jax.config.jax_enable_x64 else jnp.zeros((M,), dtype=jnp.int32)
    idx_keys = jax.random.randint(k1, (B,), 0, M, dtype=jnp.int32)
    idx_vals = jax.random.randint(k2, (B,), 0, B, dtype=jnp.int32)
    x = jax.random.normal(k3, (B,) + IMG, dtype=jnp.float32)
    y = jax.random.randint(k4, (B,), 0, NUM_CLASSES, dtype=jnp.int32)
    return {
        "mem": mem,
        "buffer_label": buffer_label,
        "idx_keys": idx_keys,
        "idx_vals": idx_vals,
        "x": x,
        "y": y,
    }


def reference(mem, buffer_label, idx_keys, idx_vals, x, y):
    # Faithful translation of Test_Buffer.overwrite(idx_map, x, y):
    #   self.buffer_img[list(idx_map.keys())]   = x[list(idx_map.values())]
    #   self.buffer_label[list(idx_map.keys())] = y[list(idx_map.values())]
    # idx_map is represented as parallel arrays (idx_keys -> buffer slots,
    # idx_vals -> rows of the incoming batch).
    gathered_x = jnp.take(x, idx_vals, axis=0)          # gather source rows
    gathered_y = jnp.take(y, idx_vals, axis=0)
    new_mem = mem.at[idx_keys].set(gathered_x)           # scatter-overwrite images
    new_label = buffer_label.at[idx_keys].set(gathered_y)  # scatter-overwrite labels
    return new_mem, new_label

if __name__ == "__main__":
    import jax
    _d = setup_inputs()
    print(jax.jit(kernel)(*tuple(_d.values())))

</pallas_src>

<mosaic_0001>
#map = affine_map<(d0, d1) -> (0, 0)>
#map1 = affine_map<(d0, d1) -> (0)>
module attributes {stable_mosaic.version = 14 : i64} {
  func.func @_sc_body(%arg0: i32, %arg1: i32, %arg2: memref<3072x10000xf32, #tpu.memory_space<hbm>>, %arg3: memref<3072x4096xf32, #tpu.memory_space<hbm>>, %arg4: memref<4096xi32, #tpu.memory_space<hbm>>, %arg5: memref<10000xf32, #tpu.memory_space<hbm>>, %arg6: memref<4096xf32, #tpu.memory_space<hbm>>, %arg7: memref<3072x10000xf32, #tpu.memory_space<hbm>>, %arg8: memref<10000xf32, #tpu.memory_space<hbm>>, %arg9: memref<4096xi32, #tpu.memory_space<vmem>>, %arg10: memref<8x10000xf32, #tpu.memory_space<vmem>>, %arg11: memref<8x4096xf32, #tpu.memory_space<vmem>>, %arg12: memref<!tpu.dma_semaphore, #tpu.memory_space<semaphore_mem>>, %arg13: memref<!tpu.dma_semaphore, #tpu.memory_space<semaphore_mem>>, %arg14: memref<!tpu.dma_semaphore, #tpu.memory_space<semaphore_mem>>) attributes {dimension_semantics = [#tpu.dimension_semantics<core_parallel>, #tpu.dimension_semantics<subcore_parallel>], iteration_bounds = array<i64: 2, 16>, scalar_prefetch = 0 : i64, scratch_operands = 6 : i64, tpu.core_type = #tpu.core_type<sc_vector_subcore>, window_params = [{transform_indices = #map}, {transform_indices = #map}, {transform_indices = #map1}, {transform_indices = #map1}, {transform_indices = #map1}, {transform_indices = #map}, {transform_indices = #map1}]} {
    %mul3A = arith.constant 2 : i32
    %mul3A_0 = arith.muli %arg1, %mul3A : i32
    %add3A = arith.addi %mul3A_0, %arg0 : i32
    %mul3A_1 = arith.constant 96 : i32
    %mul3A_2 = arith.muli %add3A, %mul3A_1 : i32
    "tpu.region"() ({
      %run_scoped3A = tpu.sem_alloc : memref<!tpu.dma_semaphore, #tpu.memory_space<semaphore_mem>>
      tpu.enqueue_dma source(%arg4 : memref<4096xi32, #tpu.memory_space<hbm>>) target(%arg9 : memref<4096xi32, #tpu.memory_space<vmem>>) target_semaphore(%run_scoped3A : memref<!tpu.dma_semaphore, #tpu.memory_space<semaphore_mem>>)
      tpu.wait_dma2 semaphore(%run_scoped3A : memref<!tpu.dma_semaphore, #tpu.memory_space<semaphore_mem>>) src(%arg4 : memref<4096xi32, #tpu.memory_space<hbm>>) dst(%arg9 : memref<4096xi32, #tpu.memory_space<vmem>>)
      tpu.yield
    }) : () -> ()
    %eq3A = arith.constant 0 : i32
    %eq3A_3 = arith.cmpi eq, %add3A, %eq3A : i32
    %convert_element_type3A = arith.extui %eq3A_3 : i1 to i32
    %cond3A = arith.constant 0 : i32
    %cond3A_4 = arith.cmpi ne, %convert_element_type3A, %cond3A : i32
    scf.if %cond3A_4 {
      %run_scoped3A = arith.constant 0 : i32
      "tpu.region"() ({
        %run_scoped3A_21 = tpu.sem_alloc : memref<!tpu.dma_semaphore, #tpu.memory_space<semaphore_mem>>
        %dma_start3A = arith.constant 0 : i32
        %dma_start3A_22 = tpu.memref_slice %arg10[%run_scoped3A, %dma_start3A] : memref<8x10000xf32, #tpu.memory_space<vmem>> -> memref<1x10000xf32, #tpu.memory_space<vmem>>
        %dma_start3A_23 = tpu.memref_squeeze %dma_start3A_22 : memref<1x10000xf32, #tpu.memory_space<vmem>> -> memref<10000xf32, #tpu.memory_space<vmem>>
        %dma_start3A_24 = arith.constant 0 : i32
        %dma_start3A_25 = tpu.memref_slice %arg10[%run_scoped3A, %dma_start3A_24] : memref<8x10000xf32, #tpu.memory_space<vmem>> -> memref<1x10000xf32, #tpu.memory_space<vmem>>
        %dma_start3A_26 = tpu.memref_squeeze %dma_start3A_25 : memref<1x10000xf32, #tpu.memory_space<vmem>> -> memref<10000xf32, #tpu.memory_space<vmem>>
        tpu.enqueue_dma source(%arg5 : memref<10000xf32, #tpu.memory_space<hbm>>) target(%dma_start3A_26 : memref<10000xf32, #tpu.memory_space<vmem>>) target_semaphore(%run_scoped3A_21 : memref<!tpu.dma_semaphore, #tpu.memory_space<semaphore_mem>>)
        %dma_wait3A_27 = arith.constant 0 : i32
        %dma_wait3A_28 = tpu.memref_slice %arg10[%run_scoped3A, %dma_wait3A_27] : memref<8x10000xf32, #tpu.memory_space<vmem>> -> memref<1x10000xf32, #tpu.memory_space<vmem>>
        %dma_wait3A_29 = tpu.memref_squeeze %dma_wait3A_28 : memref<1x10000xf32, #tpu.memory_space<vmem>> -> memref<10000xf32, #tpu.memory_space<vmem>>
        %dma_wait3A_30 = arith.constant 0 : i32
        %dma_wait3A_31 = tpu.memref_slice %arg10[%run_scoped3A, %dma_wait3A_30] : memref<8x10000xf32, #tpu.memory_space<vmem>> -> memref<1x10000xf32, #tpu.memory_space<vmem>>
        %dma_wait3A_32 = tpu.memref_squeeze %dma_wait3A_31 : memref<1x10000xf32, #tpu.memory_space<vmem>> -> memref<10000xf32, #tpu.memory_space<vmem>>
        tpu.wait_dma2 semaphore(%run_scoped3A_21 : memref<!tpu.dma_semaphore, #tpu.memory_space<semaphore_mem>>) src(%arg5 : memref<10000xf32, #tpu.memory_space<hbm>>) dst(%dma_wait3A_32 : memref<10000xf32, #tpu.memory_space<vmem>>)
        tpu.yield
      }) : () -> ()
      %run_scoped3A_13 = arith.constant 1 : i32
      "tpu.region"() ({
        %run_scoped3A_21 = tpu.sem_alloc : memref<!tpu.dma_semaphore, #tpu.memory_space<semaphore_mem>>
        %dma_start3A = arith.constant 0 : i32
        %dma_start3A_22 = tpu.memref_slice %arg10[%run_scoped3A_13, %dma_start3A] : memref<8x10000xf32, #tpu.memory_space<vmem>> -> memref<1x4096xf32, #tpu.memory_space<vmem>>
        %dma_start3A_23 = tpu.memref_squeeze %dma_start3A_22 : memref<1x4096xf32, #tpu.memory_space<vmem>> -> memref<4096xf32, #tpu.memory_space<vmem>>
        %dma_start3A_24 = arith.constant 0 : i32
        %dma_start3A_25 = tpu.memref_slice %arg10[%run_scoped3A_13, %dma_start3A_24] : memref<8x10000xf32, #tpu.memory_space<vmem>> -> memref<1x4096xf32, #tpu.memory_space<vmem>>
        %dma_start3A_26 = tpu.memref_squeeze %dma_start3A_25 : memref<1x4096xf32, #tpu.memory_space<vmem>> -> memref<4096xf32, #tpu.memory_space<vmem>>
        tpu.enqueue_dma source(%arg6 : memref<4096xf32, #tpu.memory_space<hbm>>) target(%dma_start3A_26 : memref<4096xf32, #tpu.memory_space<vmem>>) target_semaphore(%run_scoped3A_21 : memref<!tpu.dma_semaphore, #tpu.memory_space<semaphore_mem>>)
        %dma_wait3A_27 = arith.constant 0 : i32
        %dma_wait3A_28 = tpu.memref_slice %arg10[%run_scoped3A_13, %dma_wait3A_27] : memref<8x10000xf32, #tpu.memory_space<vmem>> -> memref<1x4096xf32, #tpu.memory_space<vmem>>
        %dma_wait3A_29 = tpu.memref_squeeze %dma_wait3A_28 : memref<1x4096xf32, #tpu.memory_space<vmem>> -> memref<4096xf32, #tpu.memory_space<vmem>>
        %dma_wait3A_30 = arith.constant 0 : i32
        %dma_wait3A_31 = tpu.memref_slice %arg10[%run_scoped3A_13, %dma_wait3A_30] : memref<8x10000xf32, #tpu.memory_space<vmem>> -> memref<1x4096xf32, #tpu.memory_space<vmem>>
        %dma_wait3A_32 = tpu.memref_squeeze %dma_wait3A_31 : memref<1x4096xf32, #tpu.memory_space<vmem>> -> memref<4096xf32, #tpu.memory_space<vmem>>
        tpu.wait_dma2 semaphore(%run_scoped3A_21 : memref<!tpu.dma_semaphore, #tpu.memory_space<semaphore_mem>>) src(%arg6 : memref<4096xf32, #tpu.memory_space<hbm>>) dst(%dma_wait3A_32 : memref<4096xf32, #tpu.memory_space<vmem>>)
        tpu.yield
      }) : () -> ()
      %scan3A_14 = arith.constant 0 : i32
      %scan3A_15 = arith.constant 0 : i32
      %scan3A_16 = arith.constant 256 : i32
      %scan3A_17 = arith.addi %scan3A_15, %scan3A_16 : i32
      %scan3A_18 = arith.constant 1 : i32
      scf.for %scan3A_21 = %scan3A_15 to %scan3A_17 step %scan3A_18  : i32 {
        %mul3A_22 = arith.constant 16 : i32
        %mul3A_23 = arith.muli %scan3A_21, %mul3A_22 : i32
        %get3A = arith.index_cast %mul3A_23 : i32 to index
        %get3A_24 = tpu.vector_load %arg9[%get3A] {strides = array<i32>} : memref<4096xi32, #tpu.memory_space<vmem>>, vector<16xi32>,
        %ge3A = arith.constant 0 : i32
        %ge3A_25 = vector.broadcast %ge3A : i32 to vector<16xi32>
        %ge3A_26 = arith.cmpi sge, %get3A_24, %ge3A_25 : vector<16xi32>
        %and3A = arith.constant 16383 : i32
        %and3A_27 = vector.broadcast %and3A : i32 to vector<16xi32>
        %and3A_28 = arith.andi %get3A_24, %and3A_27 : vector<16xi32>
        %shift_right_logical3A = arith.constant 14 : i32
        %shift_right_logical3A_29 = vector.broadcast %shift_right_logical3A : i32 to vector<16xi32>
        %shift_right_logical3A_30 = arith.shrui %get3A_24, %shift_right_logical3A_29 : vector<16xi32>
        %broadcast_in_dim3A = arith.constant 1 : i32
        %broadcast_in_dim3A_31 = vector.broadcast %broadcast_in_dim3A : i32 to vector<16xi32>
        %add3A_32 = arith.constant 0 : i32
        %add3A_33 = vector.broadcast %add3A_32 : i32 to vector<16xi32>
        %add3A_34 = arith.addi %add3A_33, %shift_right_logical3A_30 : vector<16xi32>
        %gather3A = tpu.vector_load_idx %arg10[%broadcast_in_dim3A_31, %add3A_34] masked %ge3A_26 : memref<8x10000xf32, #tpu.memory_space<vmem>>[vector<16xi32>, vector<16xi32>], vector<16xf32>, vector<16xi1>
        %broadcast_in_dim3A_35 = arith.constant 0 : i32
        %broadcast_in_dim3A_36 = vector.broadcast %broadcast_in_dim3A_35 : i32 to vector<16xi32>
        tpu.vector_store_idx %arg10[%broadcast_in_dim3A_36, %and3A_28], %gather3A masked %ge3A_26 : memref<8x10000xf32, #tpu.memory_space<vmem>>[vector<16xi32>, vector<16xi32>], vector<16xf32>, vector<16xi1>
      }
      %scan3A_19 = arith.constant 256 : i32
      %run_scoped3A_20 = arith.constant 0 : i32
      "tpu.region"() ({
        %run_scoped3A_21 = tpu.sem_alloc : memref<!tpu.dma_semaphore, #tpu.memory_space<semaphore_mem>>
        %dma_start3A = arith.constant 0 : i32
        %dma_start3A_22 = tpu.memref_slice %arg10[%run_scoped3A_20, %dma_start3A] : memref<8x10000xf32, #tpu.memory_space<vmem>> -> memref<1x10000xf32, #tpu.memory_space<vmem>>
        %dma_start3A_23 = tpu.memref_squeeze %dma_start3A_22 : memref<1x10000xf32, #tpu.memory_space<vmem>> -> memref<10000xf32, #tpu.memory_space<vmem>>
        %dma_start3A_24 = arith.constant 0 : i32
        %dma_start3A_25 = tpu.memref_slice %arg10[%run_scoped3A_20, %dma_start3A_24] : memref<8x10000xf32, #tpu.memory_space<vmem>> -> memref<1x10000xf32, #tpu.memory_space<vmem>>
        %dma_start3A_26 = tpu.memref_squeeze %dma_start3A_25 : memref<1x10000xf32, #tpu.memory_space<vmem>> -> memref<10000xf32, #tpu.memory_space<vmem>>
        tpu.enqueue_dma source(%dma_start3A_26 : memref<10000xf32, #tpu.memory_space<vmem>>) target(%arg8 : memref<10000xf32, #tpu.memory_space<hbm>>) target_semaphore(%run_scoped3A_21 : memref<!tpu.dma_semaphore, #tpu.memory_space<semaphore_mem>>)
        %dma_wait3A_27 = arith.constant 0 : i32
        %dma_wait3A_28 = tpu.memref_slice %arg10[%run_scoped3A_20, %dma_wait3A_27] : memref<8x10000xf32, #tpu.memory_space<vmem>> -> memref<1x10000xf32, #tpu.memory_space<vmem>>
        %dma_wait3A_29 = tpu.memref_squeeze %dma_wait3A_28 : memref<1x10000xf32, #tpu.memory_space<vmem>> -> memref<10000xf32, #tpu.memory_space<vmem>>
        %dma_wait3A_30 = arith.constant 0 : i32
        %dma_wait3A_31 = tpu.memref_slice %arg10[%run_scoped3A_20, %dma_wait3A_30] : memref<8x10000xf32, #tpu.memory_space<vmem>> -> memref<1x10000xf32, #tpu.memory_space<vmem>>
        %dma_wait3A_32 = tpu.memref_squeeze %dma_wait3A_31 : memref<1x10000xf32, #tpu.memory_space<vmem>> -> memref<10000xf32, #tpu.memory_space<vmem>>
        tpu.wait_dma2 semaphore(%run_scoped3A_21 : memref<!tpu.dma_semaphore, #tpu.memory_space<semaphore_mem>>) src(%dma_wait3A_32 : memref<10000xf32, #tpu.memory_space<vmem>>) dst(%arg8 : memref<10000xf32, #tpu.memory_space<hbm>>)
        tpu.yield
      }) : () -> ()
    } else {
    }
    %scan3A = arith.constant 0 : i32
    %scan3A_5 = arith.constant 0 : i32
    %scan3A_6 = arith.constant 12 : i32
    %scan3A_7 = arith.addi %scan3A_5, %scan3A_6 : i32
    %scan3A_8 = arith.constant 1 : i32
    scf.for %scan3A_13 = %scan3A_5 to %scan3A_7 step %scan3A_8  : i32 {
      %mul3A_14 = arith.constant 8 : i32
      %mul3A_15 = arith.muli %scan3A_13, %mul3A_14 : i32
      %add3A_16 = arith.addi %mul3A_2, %mul3A_15 : i32
      %gt3A = arith.constant 0 : i32
      %gt3A_17 = arith.cmpi sgt, %scan3A_13, %gt3A : i32
      %convert_element_type3A_18 = arith.extui %gt3A_17 : i1 to i32
      %cond3A_19 = arith.constant 0 : i32
      %cond3A_20 = arith.cmpi ne, %convert_element_type3A_18, %cond3A_19 : i32
      scf.if %cond3A_20 {
        %dma_wait3A_46 = arith.constant 0 : i32
        %dma_wait3A_47 = tpu.memref_slice %arg7[%mul3A_2, %dma_wait3A_46] : memref<3072x10000xf32, #tpu.memory_space<hbm>> -> memref<8x10000xf32, #tpu.memory_space<hbm>>
        %dma_wait3A_48 = arith.constant 0 : i32
        %dma_wait3A_49 = tpu.memref_slice %arg7[%mul3A_2, %dma_wait3A_48] : memref<3072x10000xf32, #tpu.memory_space<hbm>> -> memref<8x10000xf32, #tpu.memory_space<hbm>>
        tpu.wait_dma2 semaphore(%arg14 : memref<!tpu.dma_semaphore, #tpu.memory_space<semaphore_mem>>) src(%arg10 : memref<8x10000xf32, #tpu.memory_space<vmem>>) dst(%dma_wait3A_49 : memref<8x10000xf32, #tpu.memory_space<hbm>>)
      } else {
      }
      %dma_start3A = arith.constant 0 : i32
      %dma_start3A_21 = tpu.memref_slice %arg2[%add3A_16, %dma_start3A] : memref<3072x10000xf32, #tpu.memory_space<hbm>> -> memref<8x10000xf32, #tpu.memory_space<hbm>>
      %dma_start3A_22 = arith.constant 0 : i32
      %dma_start3A_23 = tpu.memref_slice %arg2[%add3A_16, %dma_start3A_22] : memref<3072x10000xf32, #tpu.memory_space<hbm>> -> memref<8x10000xf32, #tpu.memory_space<hbm>>
      tpu.enqueue_dma source(%dma_start3A_23 : memref<8x10000xf32, #tpu.memory_space<hbm>>) target(%arg10 : memref<8x10000xf32, #tpu.memory_space<vmem>>) target_semaphore(%arg12 : memref<!tpu.dma_semaphore, #tpu.memory_space<semaphore_mem>>)
      %dma_start3A_24 = arith.constant 0 : i32
      %dma_start3A_25 = tpu.memref_slice %arg3[%add3A_16, %dma_start3A_24] : memref<3072x4096xf32, #tpu.memory_space<hbm>> -> memref<8x4096xf32, #tpu.memory_space<hbm>>
      %dma_start3A_26 = arith.constant 0 : i32
      %dma_start3A_27 = tpu.memref_slice %arg3[%add3A_16, %dma_start3A_26] : memref<3072x4096xf32, #tpu.memory_space<hbm>> -> memref<8x4096xf32, #tpu.memory_space<hbm>>
      tpu.enqueue_dma source(%dma_start3A_27 : memref<8x4096xf32, #tpu.memory_space<hbm>>) target(%arg11 : memref<8x4096xf32, #tpu.memory_space<vmem>>) target_semaphore(%arg13 : memref<!tpu.dma_semaphore, #tpu.memory_space<semaphore_mem>>)
      %dma_wait3A_28 = arith.constant 0 : i32
      %dma_wait3A_29 = tpu.memref_slice %arg2[%add3A_16, %dma_wait3A_28] : memref<3072x10000xf32, #tpu.memory_space<hbm>> -> memref<8x10000xf32, #tpu.memory_space<hbm>>
      %dma_wait3A_30 = arith.constant 0 : i32
      %dma_wait3A_31 = tpu.memref_slice %arg2[%add3A_16, %dma_wait3A_30] : memref<3072x10000xf32, #tpu.memory_space<hbm>> -> memref<8x10000xf32, #tpu.memory_space<hbm>>
      tpu.wait_dma2 semaphore(%arg12 : memref<!tpu.dma_semaphore, #tpu.memory_space<semaphore_mem>>) src(%dma_wait3A_31 : memref<8x10000xf32, #tpu.memory_space<hbm>>) dst(%arg10 : memref<8x10000xf32, #tpu.memory_space<vmem>>)
      %dma_wait3A_32 = arith.constant 0 : i32
      %dma_wait3A_33 = tpu.memref_slice %arg3[%add3A_16, %dma_wait3A_32] : memref<3072x4096xf32, #tpu.memory_space<hbm>> -> memref<8x4096xf32, #tpu.memory_space<hbm>>
      %dma_wait3A_34 = arith.constant 0 : i32
      %dma_wait3A_35 = tpu.memref_slice %arg3[%add3A_16, %dma_wait3A_34] : memref<3072x4096xf32, #tpu.memory_space<hbm>> -> memref<8x4096xf32, #tpu.memory_space<hbm>>
      tpu.wait_dma2 semaphore(%arg13 : memref<!tpu.dma_semaphore, #tpu.memory_space<semaphore_mem>>) src(%dma_wait3A_35 : memref<8x4096xf32, #tpu.memory_space<hbm>>) dst(%arg11 : memref<8x4096xf32, #tpu.memory_space<vmem>>)
      %scan3A_36 = arith.constant 0 : i32
      %scan3A_37 = arith.constant 0 : i32
      %scan3A_38 = arith.constant 256 : i32
      %scan3A_39 = arith.addi %scan3A_37, %scan3A_38 : i32
      %scan3A_40 = arith.constant 1 : i32
      scf.for %scan3A_46 = %scan3A_37 to %scan3A_39 step %scan3A_40  : i32 {
        %mul3A_47 = arith.constant 16 : i32
        %mul3A_48 = arith.muli %scan3A_46, %mul3A_47 : i32
        %get3A = arith.index_cast %mul3A_48 : i32 to index
        %get3A_49 = tpu.vector_load %arg9[%get3A] {strides = array<i32>} : memref<4096xi32, #tpu.memory_space<vmem>>, vector<16xi32>,
        %ge3A = arith.constant 0 : i32
        %ge3A_50 = vector.broadcast %ge3A : i32 to vector<16xi32>
        %ge3A_51 = arith.cmpi sge, %get3A_49, %ge3A_50 : vector<16xi32>
        %and3A = arith.constant 16383 : i32
        %and3A_52 = vector.broadcast %and3A : i32 to vector<16xi32>
        %and3A_53 = arith.andi %get3A_49, %and3A_52 : vector<16xi32>
        %shift_right_logical3A = arith.constant 14 : i32
        %shift_right_logical3A_54 = vector.broadcast %shift_right_logical3A : i32 to vector<16xi32>
        %shift_right_logical3A_55 = arith.shrui %get3A_49, %shift_right_logical3A_54 : vector<16xi32>
        %broadcast_in_dim3A = arith.constant 0 : i32
        %broadcast_in_dim3A_56 = vector.broadcast %broadcast_in_dim3A : i32 to vector<16xi32>
        %gather3A = tpu.vector_load_idx %arg11[%broadcast_in_dim3A_56, %shift_right_logical3A_55] masked %ge3A_51 : memref<8x4096xf32, #tpu.memory_space<vmem>>[vector<16xi32>, vector<16xi32>], vector<16xf32>, vector<16xi1>
        tpu.vector_store_idx %arg10[%broadcast_in_dim3A_56, %and3A_53], %gather3A masked %ge3A_51 : memref<8x10000xf32, #tpu.memory_space<vmem>>[vector<16xi32>, vector<16xi32>], vector<16xf32>, vector<16xi1>
        %broadcast_in_dim3A_57 = arith.constant 1 : i32
        %broadcast_in_dim3A_58 = vector.broadcast %broadcast_in_dim3A_57 : i32 to vector<16xi32>
        %gather3A_59 = tpu.vector_load_idx %arg11[%broadcast_in_dim3A_58, %shift_right_logical3A_55] masked %ge3A_51 : memref<8x4096xf32, #tpu.memory_space<vmem>>[vector<16xi32>, vector<16xi32>], vector<16xf32>, vector<16xi1>
        tpu.vector_store_idx %arg10[%broadcast_in_dim3A_58, %and3A_53], %gather3A_59 masked %ge3A_51 : memref<8x10000xf32, #tpu.memory_space<vmem>>[vector<16xi32>, vector<16xi32>], vector<16xf32>, vector<16xi1>
        %broadcast_in_dim3A_60 = arith.constant 2 : i32
        %broadcast_in_dim3A_61 = vector.broadcast %broadcast_in_dim3A_60 : i32 to vector<16xi32>
        %gather3A_62 = tpu.vector_load_idx %arg11[%broadcast_in_dim3A_61, %shift_right_logical3A_55] masked %ge3A_51 : memref<8x4096xf32, #tpu.memory_space<vmem>>[vector<16xi32>, vector<16xi32>], vector<16xf32>, vector<16xi1>
        tpu.vector_store_idx %arg10[%broadcast_in_dim3A_61, %and3A_53], %gather3A_62 masked %ge3A_51 : memref<8x10000xf32, #tpu.memory_space<vmem>>[vector<16xi32>, vector<16xi32>], vector<16xf32>, vector<16xi1>
        %broadcast_in_dim3A_63 = arith.constant 3 : i32
        %broadcast_in_dim3A_64 = vector.broadcast %broadcast_in_dim3A_63 : i32 to vector<16xi32>
        %gather3A_65 = tpu.vector_load_idx %arg11[%broadcast_in_dim3A_64, %shift_right_logical3A_55] masked %ge3A_51 : memref<8x4096xf32, #tpu.memory_space<vmem>>[vector<16xi32>, vector<16xi32>], vector<16xf32>, vector<16xi1>
        tpu.vector_store_idx %arg10[%broadcast_in_dim3A_64, %and3A_53], %gather3A_65 masked %ge3A_51 : memref<8x10000xf32, #tpu.memory_space<vmem>>[vector<16xi32>, vector<16xi32>], vector<16xf32>, vector<16xi1>
        %broadcast_in_dim3A_66 = arith.constant 4 : i32
        %broadcast_in_dim3A_67 = vector.broadcast %broadcast_in_dim3A_66 : i32 to vector<16xi32>
        %gather3A_68 = tpu.vector_load_idx %arg11[%broadcast_in_dim3A_67, %shift_right_logical3A_55] masked %ge3A_51 : memref<8x4096xf32, #tpu.memory_space<vmem>>[vector<16xi32>, vector<16xi32>], vector<16xf32>, vector<16xi1>
        tpu.vector_store_idx %arg10[%broadcast_in_dim3A_67, %and3A_53], %gather3A_68 masked %ge3A_51 : memref<8x10000xf32, #tpu.memory_space<vmem>>[vector<16xi32>, vector<16xi32>], vector<16xf32>, vector<16xi1>
        %broadcast_in_dim3A_69 = arith.constant 5 : i32
        %broadcast_in_dim3A_70 = vector.broadcast %broadcast_in_dim3A_69 : i32 to vector<16xi32>
        %gather3A_71 = tpu.vector_load_idx %arg11[%broadcast_in_dim3A_70, %shift_right_logical3A_55] masked %ge3A_51 : memref<8x4096xf32, #tpu.memory_space<vmem>>[vector<16xi32>, vector<16xi32>], vector<16xf32>, vector<16xi1>
        tpu.vector_store_idx %arg10[%broadcast_in_dim3A_70, %and3A_53], %gather3A_71 masked %ge3A_51 : memref<8x10000xf32, #tpu.memory_space<vmem>>[vector<16xi32>, vector<16xi32>], vector<16xf32>, vector<16xi1>
        %broadcast_in_dim3A_72 = arith.constant 6 : i32
        %broadcast_in_dim3A_73 = vector.broadcast %broadcast_in_dim3A_72 : i32 to vector<16xi32>
        %gather3A_74 = tpu.vector_load_idx %arg11[%broadcast_in_dim3A_73, %shift_right_logical3A_55] masked %ge3A_51 : memref<8x4096xf32, #tpu.memory_space<vmem>>[vector<16xi32>, vector<16xi32>], vector<16xf32>, vector<16xi1>
        tpu.vector_store_idx %arg10[%broadcast_in_dim3A_73, %and3A_53], %gather3A_74 masked %ge3A_51 : memref<8x10000xf32, #tpu.memory_space<vmem>>[vector<16xi32>, vector<16xi32>], vector<16xf32>, vector<16xi1>
        %broadcast_in_dim3A_75 = arith.constant 7 : i32
        %broadcast_in_dim3A_76 = vector.broadcast %broadcast_in_dim3A_75 : i32 to vector<16xi32>
        %gather3A_77 = tpu.vector_load_idx %arg11[%broadcast_in_dim3A_76, %shift_right_logical3A_55] masked %ge3A_51 : memref<8x4096xf32, #tpu.memory_space<vmem>>[vector<16xi32>, vector<16xi32>], vector<16xf32>, vector<16xi1>
        tpu.vector_store_idx %arg10[%broadcast_in_dim3A_76, %and3A_53], %gather3A_77 masked %ge3A_51 : memref<8x10000xf32, #tpu.memory_space<vmem>>[vector<16xi32>, vector<16xi32>], vector<16xf32>, vector<16xi1>
      }
      %scan3A_41 = arith.constant 256 : i32
      %dma_start3A_42 = arith.constant 0 : i32
      %dma_start3A_43 = tpu.memref_slice %arg7[%add3A_16, %dma_start3A_42] : memref<3072x10000xf32, #tpu.memory_space<hbm>> -> memref<8x10000xf32, #tpu.memory_space<hbm>>
      %dma_start3A_44 = arith.constant 0 : i32
      %dma_start3A_45 = tpu.memref_slice %arg7[%add3A_16, %dma_start3A_44] : memref<3072x10000xf32, #tpu.memory_space<hbm>> -> memref<8x10000xf32, #tpu.memory_space<hbm>>
      tpu.enqueue_dma source(%arg10 : memref<8x10000xf32, #tpu.memory_space<vmem>>) target(%dma_start3A_45 : memref<8x10000xf32, #tpu.memory_space<hbm>>) target_semaphore(%arg14 : memref<!tpu.dma_semaphore, #tpu.memory_space<semaphore_mem>>)
    }
    %scan3A_9 = arith.constant 12 : i32
    %dma_wait3A = arith.constant 0 : i32
    %dma_wait3A_10 = tpu.memref_slice %arg7[%mul3A_2, %dma_wait3A] : memref<3072x10000xf32, #tpu.memory_space<hbm>> -> memref<8x10000xf32, #tpu.memory_space<hbm>>
    %dma_wait3A_11 = arith.constant 0 : i32
    %dma_wait3A_12 = tpu.memref_slice %arg7[%mul3A_2, %dma_wait3A_11] : memref<3072x10000xf32, #tpu.memory_space<hbm>> -> memref<8x10000xf32, #tpu.memory_space<hbm>>
    tpu.wait_dma2 semaphore(%arg14 : memref<!tpu.dma_semaphore, #tpu.memory_space<semaphore_mem>>) src(%arg10 : memref<8x10000xf32, #tpu.memory_space<vmem>>) dst(%dma_wait3A_12 : memref<8x10000xf32, #tpu.memory_space<hbm>>)
    return
  }
}

module attributes {stable_mosaic.version = 14 : i64} {
  func.func @_mask_body(%arg0: i32, %arg1: memref<1x4096xi32, #tpu.memory_space<vmem>>, %arg2: memref<1x4096xi32, #tpu.memory_space<vmem>>, %arg3: memref<1x4096xi32, #tpu.memory_space<vmem>>) attributes {dimension_semantics = [#tpu.dimension_semantics<arbitrary>], iteration_bounds = array<i64: 32>, scalar_prefetch = 0 : i64, scratch_operands = 0 : i64, tpu.core_type = #tpu.core_type<tc>, window_params = [{pipeline_mode = #tpu.pipeline_mode<synchronous>, transform_indices = @transform_0, window_bounds = array<i64: 1, 4096>}, {pipeline_mode = #tpu.pipeline_mode<synchronous>, transform_indices = @transform_1, window_bounds = array<i64: 1, 4096>}, {pipeline_mode = #tpu.pipeline_mode<synchronous>, transform_indices = @transform_2, window_bounds = array<i64: 1, 4096>}]} {
    %mul3A = arith.constant 128 : i32
    %mul3A_0 = arith.muli %arg0, %mul3A : i32
    %get3A = arith.constant 0 : index
    %get3A_1 = arith.index_cast %mul3A_0 : i32 to index
    %get3A_2 = vector.load %arg1[%get3A, %get3A_1] : memref<1x4096xi32, #tpu.memory_space<vmem>>, vector<1x128xi32>
    %get3A_3 = vector.shape_cast %get3A_2 : vector<1x128xi32> to vector<128xi32>
    %get3A_4 = arith.constant 0 : index
    %get3A_5 = arith.constant 0 : index
    %get3A_6 = vector.load %arg1[%get3A_4, %get3A_5] : memref<1x4096xi32, #tpu.memory_space<vmem>>, vector<1x4096xi32>
    %mul3A_7 = arith.constant 128 : i32
    %mul3A_8 = arith.muli %arg0, %mul3A_7 : i32
    %iota3A = tpu.iota {dimensions = array<i32: 0>} : vector<128x1xi32>
    %add3A = vector.broadcast %mul3A_8 : i32 to vector<128x1xi32>
    %add3A_9 = arith.addi %add3A, %iota3A : vector<128x1xi32>
    %iota3A_10 = tpu.iota {dimensions = array<i32: 1>} : vector<1x4096xi32>
    %reshape3A = vector.shape_cast %get3A_3 : vector<128xi32> to vector<128x1xi32>
    %eq3A = vector.broadcast %reshape3A : vector<128x1xi32> to vector<128x4096xi32>
    %eq3A_11 = vector.broadcast %get3A_6 : vector<1x4096xi32> to vector<128x4096xi32>
    %eq3A_12 = arith.cmpi eq, %eq3A, %eq3A_11 : vector<128x4096xi32>
    %gt3A = vector.broadcast %iota3A_10 : vector<1x4096xi32> to vector<128x4096xi32>
    %gt3A_13 = vector.broadcast %add3A_9 : vector<128x1xi32> to vector<128x4096xi32>
    %gt3A_14 = arith.cmpi sgt, %gt3A, %gt3A_13 : vector<128x4096xi32>
    %and3A = arith.andi %eq3A_12, %gt3A_14 : vector<128x4096xi1>
    %jit3A = arith.constant 1 : i32
    %jit3A_15 = arith.constant 0 : i32
    %broadcast_in_dim3A = vector.broadcast %jit3A : i32 to vector<128x4096xi32>
    %broadcast_in_dim3A_16 = vector.broadcast %jit3A_15 : i32 to vector<128x4096xi32>
    %select_n3A = arith.select %and3A, %broadcast_in_dim3A, %broadcast_in_dim3A_16 : vector<128x4096xi1>, vector<128x4096xi32>
    %reduce_max3A = arith.constant dense<-2147483648> : vector<128xi32>
    %reduce_max3A_17 = vector.multi_reduction <maxsi>, %select_n3A, %reduce_max3A [1] : vector<128x4096xi32> to vector<128xi32>
    %eq3A_18 = arith.constant 0 : i32
    %eq3A_19 = vector.broadcast %eq3A_18 : i32 to vector<128xi32>
    %eq3A_20 = arith.cmpi eq, %reduce_max3A_17, %eq3A_19 : vector<128xi32>
    %mul3A_21 = arith.constant 128 : i32
    %mul3A_22 = arith.muli %arg0, %mul3A_21 : i32
    %get3A_23 = arith.constant 0 : index
    %get3A_24 = arith.index_cast %mul3A_22 : i32 to index
    %get3A_25 = vector.load %arg2[%get3A_23, %get3A_24] : memref<1x4096xi32, #tpu.memory_space<vmem>>, vector<1x128xi32>
    %get3A_26 = vector.shape_cast %get3A_25 : vector<1x128xi32> to vector<128xi32>
    %shift_left3A = arith.constant 14 : i32
    %shift_left3A_27 = vector.broadcast %shift_left3A : i32 to vector<128xi32>
    %shift_left3A_28 = arith.shli %get3A_26, %shift_left3A_27 : vector<128xi32>
    %or3A = arith.ori %get3A_3, %shift_left3A_28 : vector<128xi32>
    %jit3A_29 = arith.constant -1 : i32
    %broadcast_in_dim3A_30 = vector.broadcast %jit3A_29 : i32 to vector<128xi32>
    %select_n3A_31 = arith.select %eq3A_20, %or3A, %broadcast_in_dim3A_30 : vector<128xi1>, vector<128xi32>
    %mul3A_32 = arith.constant 128 : i32
    %mul3A_33 = arith.muli %arg0, %mul3A_32 : i32
    %swap3A = arith.constant 0 : index
    %swap3A_34 = arith.index_cast %mul3A_33 : i32 to index
    %swap3A_35 = vector.load %arg3[%swap3A, %swap3A_34] : memref<1x4096xi32, #tpu.memory_space<vmem>>, vector<1x128xi32>
    %swap3A_36 = vector.shape_cast %swap3A_35 : vector<1x128xi32> to vector<128xi32>
    %swap3A_37 = vector.shape_cast %select_n3A_31 : vector<128xi32> to vector<1x128xi32>
    tpu.vector_store %arg3[%swap3A, %swap3A_34], %swap3A_37 {strides = array<i32>} : memref<1x4096xi32, #tpu.memory_space<vmem>>, vector<1x128xi32>,
    return
  }
  func.func @transform_0(%arg0: i32) -> (i32, i32) {
    %c0_i32 = arith.constant 0 : i32
    %c0_i32_0 = arith.constant 0 : i32
    %c0_i32_1 = arith.constant 0 : i32
    return %c0_i32, %c0_i32_0 : i32, i32
  }
  func.func @transform_1(%arg0: i32) -> (i32, i32) {
    %c0_i32 = arith.constant 0 : i32
    %c0_i32_0 = arith.constant 0 : i32
    %c0_i32_1 = arith.constant 0 : i32
    return %c0_i32, %c0_i32_0 : i32, i32
  }
  func.func @transform_2(%arg0: i32) -> (i32, i32) {
    %c0_i32 = arith.constant 0 : i32
    %c0_i32_0 = arith.constant 0 : i32
    %c0_i32_1 = arith.constant 0 : i32
    return %c0_i32, %c0_i32_0 : i32, i32
  }
}

</mosaic_0001>

<sc_bundles>
// kernel: kernel.4.cloned.1.call-start
scs
__scs_entry_jumppad:
0x0: {  	(pc) =	sbr.rel $0x88, $3  }
0x1: {  	(tag) =	ssettag $0x0;
	lr =	simm.s32 $0x1  }
0x2: {  	[smem:$0x3F9B] =	sst lr;
	_ =	strace $0xD0000000  }
0x3: {  	_ = 	snop  }
0x4: {  	_ = 	snop  }
0x5: {  	_ = 	snop  }
0x6: {  	_ = 	snop  }
0x7: {  	_ = 	snop  }
__scs_overlays_trampoline_lowered:
0x8: {  	[smem:$0x3FAA] =	sst s0  }
0x9: {  	[smem:$0x3FAB] =	sst s1  }
0xa: {  	[smem:$0x3FAC] =	sst s2  }
0xb: {  	[smem:$0x3FAD] =	sst s3  }
0xc: {  	[smem:$0x3FAE] =	sst s4  }
0xd: {  	[smem:$0x3FAF] =	sst s5  }
0xe: {  	[smem:$0x3FB0] =	sst s6  }
0xf: {  	[smem:$0x3FB1] =	sst s7  }
0x10: {  	[smem:$0x3FB2] =	sst s8  }
0x11: {  	[smem:$0x3FB3] =	sst s9;
	s0 =	simm.s32 @!p0 $0x0  }
0x12: {  	s1 =	sld [smem:$0x3F99];
	s0 =	simm.s32 @p0 $0x1  }
0x13: {  	[smem:$0x3FB4] =	sst s0;
	s0 =	simm.s32 @!p1 $0x0  }
0x14: {  	s2 =	sld [smem:$0x3F98];
	s0 =	simm.s32 @p1 $0x1  }
0x15: {  	[smem:$0x3FB5] =	sst s0;
	s0 =	simm.s32 @!p2 $0x0  }
0x16: {  	s3 =	sld [smem:$0x3FDB];
	s0 =	simm.s32 @p2 $0x1  }
0x17: {  	s4 =	simm.s32 $0x1BF5;
	[smem:$0x3FB7] =	sst s0  }
0x18: {  	s0 =	sld [smem:$0x3F9A];
	_ =	swait.ge [sflag:s4], $0x0  }
0x19: {  	s7 =	sld [smem:$0x3F9B]  }
0x1a: {  	s8 =	sadd.s32 $0xFFFFE003, lr  }
0x1b: {  	s9 =	sadd.s32 $0xFFFFFEF7, lr;
	s5 =	simm.s32 $0xFFFFFFFF;
	p2 =	slt.u32 s8, $0xFFFFF086  }
0x1c: {  	p1 =	slt.u32 s9, $0xF7A;
	s5 =	simm.s32 @!p2 $0x0  }
0x1d: {  	s5 =	simm.s32 @p1 $0x1;
	p0 =	seq.s32 s7, s2  }
0x1e: {  	s7 =	smul.u32 @!p0 $0xF7A, s2;
	p2 =	seq.s32 @!p0 s5, $0x0  }
0x1f: {  	s9 =	smul.u32 $0xF7A, s1;
	s8 =	simm.s32 @!p0 $0x1BF5;
	p2 =	por !p2, p0  }
0x20: {  	[sflag:s8] =	ssyncset.s32 @!p0 $0xFFFFF086;
	s6 =	sadd.s32 @!p0 s3, s7;
	s7 =	simm.s32 @!p0 $0x108  }
0x21: {  	s3 =	sadd.s32 s3, s9;
	s6 =	sadd.s32 @!p0 $0x88, s6;
	s7 =	simm.s32 @p2 $0x1082  }
0x22: {  	[simem:s7], [sflag:s8] =	dma.local @!p0 [hbm:s6], $0xF7A  }
0x23: {  	s9 =	sor.u32 $0xD0000000, s2;
	s6 =	simm.s32 $0x108;
	_ =	swait.ge @!p0 [sflag:s8], $0x0  }
0x24: {  	s3 =	sadd.s32 $0x88, s3;
	s6 =	simm.s32 @!p1 $0x1082;
	[sflag:s4] =	ssyncset.s32 $0xFFFFF086  }
0x25: {  	[simem:s6], [sflag:s4] =	dma.local [hbm:s3], $0xF7A  }
0x26: {  	[smem:$0x3F9B] =	sst s1;
	(tag) =	ssettag s2;
	_ =	strace s9  }
0x27: {  	s1 =	sld [smem:$0x3FAB]  }
0x28: {  	s2 =	sld [smem:$0x3FAC]  }
0x29: {  	s4 =	sld [smem:$0x3FAE]  }
0x2a: {  	p0 =	seq.s32 s5, $0x0;
	s5 =	sld [smem:$0x3FAF]  }
0x2b: {  	s6 =	sld [smem:$0x3FB0]  }
0x2c: {  	s7 =	sld [smem:$0x3FB1]  }
0x2d: {  	s3 =	simm.s32 $0x108;
	s8 =	sld [smem:$0x3FB2]  }
0x2e: {  	s3 =	simm.s32 @!p0 $0x1082;
	s9 =	sld [smem:$0x3FB3]  }
0x2f: {  	lr =	sadd.s32 s0, s3;
	s0 =	sld [smem:$0x3FAA]  }
0x30: {  	s3 =	sld [smem:$0x3FAD]  }
0x31: {  	[smem:$0x3FB6] =	sst s10  }
0x32: {  	s10 =	sld [smem:$0x3FB4];
	_ =	sdelay $0x3  }
0x33: {  	p0 =	seq.s32 s10, $0x1;
	s10 =	sld [smem:$0x3FB6];
	_ =	sdelay $0x3  }
0x34: {  	[smem:$0x3FB6] =	sst s10  }
0x35: {  	s10 =	sld [smem:$0x3FB5];
	_ =	sdelay $0x3  }
0x36: {  	p1 =	seq.s32 s10, $0x1;
	s10 =	sld [smem:$0x3FB6];
	_ =	sdelay $0x3  }
0x37: {  	[smem:$0x3FB6] =	sst s10  }
0x38: {  	s10 =	sld [smem:$0x3FB7]  }
0x39: {  	_ = 	snop;
	(pc) =	sbr.ind lr, $3  }
0x3a: {  	_ = 	snop  }
0x3b: {  	_ = 	snop  }
0x3c: {  	p2 =	seq.s32 s10, $0x1;
	s10 =	sld [smem:$0x3FB6]  }
0x3d: {  	_ =	shalt  }
0x3e: {  	_ =	shalt  }
0x3f: {  	_ =	shalt  }
0x40: {  	_ =	shalt  }
0x41: {  	_ =	shalt  }
0x42: {  	_ =	shalt  }
0x43: {  	_ =	shalt  }
0x44: {  	_ =	shalt  }
0x45: {  	_ =	shalt  }
0x46: {  	_ =	shalt  }
0x47: {  	_ =	shalt  }
0x48: {  	_ =	shalt  }
0x49: {  	_ =	shalt  }
0x4a: {  	_ =	shalt  }
0x4b: {  	_ =	shalt  }
0x4c: {  	_ =	shalt  }
0x4d: {  	_ =	shalt  }
0x4e: {  	_ =	shalt  }
0x4f: {  	_ =	shalt  }
0x50: {  	_ =	shalt  }
0x51: {  	_ =	shalt  }
0x52: {  	_ =	shalt  }
0x53: {  	_ =	shalt  }
0x54: {  	_ =	shalt  }
0x55: {  	_ =	shalt  }
0x56: {  	_ =	shalt  }
0x57: {  	_ =	shalt  }
0x58: {  	_ =	shalt  }
0x59: {  	_ =	shalt  }
0x5a: {  	_ =	shalt  }
0x5b: {  	_ =	shalt  }
0x5c: {  	_ =	shalt  }
0x5d: {  	_ =	shalt  }
0x5e: {  	_ =	shalt  }
0x5f: {  	_ =	shalt  }
0x60: {  	_ =	shalt  }
0x61: {  	_ =	shalt  }
0x62: {  	_ =	shalt  }
0x63: {  	_ =	shalt  }
0x64: {  	_ =	shalt  }
0x65: {  	_ =	shalt  }
0x66: {  	_ =	shalt  }
0x67: {  	_ =	shalt  }
0x68: {  	_ =	shalt  }
0x69: {  	_ =	shalt  }
0x6a: {  	_ =	shalt  }
0x6b: {  	_ =	shalt  }
0x6c: {  	_ =	shalt  }
0x6d: {  	_ =	shalt  }
0x6e: {  	_ =	shalt  }
0x6f: {  	_ =	shalt  }
0x70: {  	_ =	shalt  }
0x71: {  	_ =	shalt  }
0x72: {  	_ =	shalt  }
0x73: {  	_ =	shalt  }
0x74: {  	_ =	shalt  }
0x75: {  	_ =	shalt  }
0x76: {  	_ =	shalt  }
0x77: {  	_ =	shalt  }
0x78: {  	_ =	shalt  }
0x79: {  	_ =	shalt  }
0x7a: {  	_ =	shalt  }
0x7b: {  	_ =	shalt  }
0x7c: {  	_ =	shalt  }
0x7d: {  	_ =	shalt  }
0x7e: {  	_ =	shalt  }
0x7f: {  	_ =	shalt  }
0x80: {  	_ =	shalt  }
0x81: {  	_ =	shalt  }
0x82: {  	_ =	shalt  }
0x83: {  	_ =	shalt  }
0x84: {  	_ =	shalt  }
0x85: {  	_ =	shalt  }
0x86: {  	_ =	shalt  }
0x87: {  	_ =	shalt  }
.Lfunc_end0:
.L_simem_size_0:
called_computation_lowered:
.L_overlay_start_0:
0x88: {  	s2 =	sld [smem:$0x3FD9]  }
0x89: {  	s3 =	sld [smem:$0x3FFE];
	_ =	sdelay $0x1  }
0x8a: {  	s1 =	srdreg.scid  }
0x8b: {  	s0 =	sand.u32 $0x1, s1  }
0x8c: {  	s14 =	sshll.u32 s0, $0xA;
	s2 =	sadd.s32 s3, s2  }
0x8d: {  	s2 =	sadd.s32 s2, s14  }
0x8e: {  	[smem:$0x3FC2] =	sst s2  }
0x8f: {  	_ = 	snop  }
0x90: {  	s2 =	sld [smem:$0x3FD0];
	_ =	sdelay $0x1  }
0x91: {  	s15 =	sld [smem:$0x3FC9]  }
0x92: {  	s5 =	simm.s32 $0xA;
	s6 =	simm.s32 $0x10;
	s4 =	sld [smem:$0x3FC5]  }
0x93: {  	[smem:s6], [sflag:s5] =	dma.local [hbm:s2], $0x1  }
0x94: {  	_ =	swait.eq [sflag:s5], $0x1  }
0x95: {  	[sflag:s5] =	ssyncset.done $0x0  }
0x96: {  	s16 =	sld [smem:$0x10];
	[sflag:s5] =	ssyncadd.s32 $0xFFFFFFFF  }
0x97: {  	s17 =	sld [smem:$0x11];
	(tm) =	ssettm $0x1  }
0x98: {  	s18 =	sld [smem:$0x3FFB];
	_ =	sdelay $0x3  }
0x99: {  	_ =	strace s18  }
0x9a: {  	s6 =	sld [smem:$0x3FFC];
	_ =	sdelay $0x3  }
0x9b: {  	_ =	strace s6  }
0x9c: {  	s6 =	sld [smem:$0x3FFD];
	_ =	sdelay $0x3  }
0x9d: {  	_ =	strace s6  }
0x9e: {  	_ =	strace $0x8FFFFFFF  }
0x9f: {  	s19 =	sld [smem:$0x3FDB];
	_ =	sdelay $0x1  }
0xa0: {  	s7 =	simm.s32 $_scs_section_size  }
0xa1: {  	s8 =	simm.s32 $_size__tile_overlayer_lowered;
	s9 =	simm.s32 $_tile_overlayer_lowered  }
0xa2: {  	s22 =	simm.s32 $0x1BFF;
	s21 =	sshll.u32 s9, $0x1;
	s6 =	sadd.s32 s7, s19  }
0xa3: {  	s10 =	simm.s32 $0x0;
	s20 =	sshll.u32 s8, $0x1;
	s8 =	sadd.s32 s21, s6  }
0xa4: {  	[timem:s10], [sflag:s22] =	dma.local [hbm:s8], s20  }
0xa5: {  	_ =	swait.ge [sflag:s22], s20  }
0xa6: {  	s7 =	ssub.s32 $0x0, s20;
	[sflag:s22] =	ssyncset.done $0x0  }
0xa7: {  	[sflag:s22] =	ssyncadd.s32 s7;
	_ =	sdelay $0x1  }
0xa8: {  	s23 =	simm.s32 $0x1B8B  }
0xa9: {  	_ =	swait.ge [sflag:s23], $0x1  }
0xaa: {  	[sflag:s23] =	ssyncset.done $0x0  }
0xab: {  	s25 =	simm.s32 $0x1B8E;
	s24 =	sld [smem:$0x3FFE];
	[sflag:s23] =	ssyncadd.s32 $0xFFFFFFFF  }
0xac: {  	s26 =	simm.s32 $execute0_lowered;
	[smem:$0x3FD2] =	sst s25  }
0xad: {  	s8 =	sshll.u32 s26, $0x1;
	_ =	strace $0x80000046;
	[dreg:$0x1] =	wrdreg $0xFFFFFFFF  }
0xae: {  	s28 =	simm.s32 $_size_execute0_lowered;
	s6 =	sadd.s32 s6, s8;
	[dreg:$0x0] =	wrdreg $0x0  }
0xaf: {  	s8 =	sshll.u32 s28, $0x1;
	[dreg:$0x2] =	wrdreg s6  }
0xb0: {  	[dreg:$0x3] =	wrdreg s8  }
0xb1: {  	[dreg:$0x4] =	wrdreg $0xC0  }
0xb2: {  	_ =	task [dreg:s10], $0x5FFFF  }
0xb3: {  	[dreg:$0x1] =	wrdreg $0xFFFFFFFF  }
0xb4: {  	[dreg:$0x0] =	wrdreg $0x60  }
0xb5: {  	[dreg:$0x2] =	wrdreg s15  }
0xb6: {  	[dreg:$0x3] =	wrdreg s4  }
0xb7: {  	[dreg:$0x4] =	wrdreg s24  }
0xb8: {  	[dreg:$0x5] =	wrdreg s17  }
0xb9: {  	[dreg:$0x6] =	wrdreg s16  }
0xba: {  	[dreg:$0x7] =	wrdreg $0x9  }
0xbb: {  	_ =	task.clear_ibuf [dreg:s10], $0x8FFFF;
	_ =	strace $0x90000046  }
0xbc: {  	s29 =	simm.s32 $0x9;
	_ =	strace $0x80000048  }
0xbd: {  	_ =	swait.ge [sflag:s29], $0x1  }
0xbe: {  	[sflag:s29] =	ssyncadd.s32 $0xFFFFFFFF  }
0xbf: {  	_ =	strace $0x90000048  }
0xc0: {  	_ =	sfence  }
0xc1: {  	s30 =	sld [smem:$0x0];
	_ =	sdelay $0x2  }
0xc2: {  	s31 =	sshll.u32 s1, $0xD;
	s1 =	sshrl.u32 s1, $0x2  }
0xc3: {  	s3 =	sand.u32 $0x4000, s31;
	s1 =	sadd.s32 s1, s30  }
0xc4: {  	s0 =	sor.u32 s3, s0;
	s1 =	sshll.u32 s1, $0x11  }
0xc5: {  	s0 =	sor.u32 s1, s0  }
0xc6: {  	s0 =	sadd.s32 $0x8F2B, s0  }
0xc7: {  	[sflag:s0] =	ssyncadd.remote.s32 $0x1  }
0xc8: {  	_ =	sfence.sel $0xFFFF  }
0xc9: {  	[dreg:$0x0] =	wrdreg $0xFFFFFFFF;
	(pc) =	sbr.abs _section_cstart, $3  }
0xca: {  	[dreg:$0x1] =	wrdreg $0xFFFFFFFF  }
0xcb: {  	_ =	task.clear_ibuf [dreg:s10], $0x2FFFF;
	_ =	strace $0x9FFFFFFF  }
0xcc: {  	(tm) =	ssettm $0x7FFFFFFF  }
0xcd: {  	_ =	shalt  }
tec
execute0_lowered:
.L_overlay_start_1:
0x0: {  	(tag) =	ssettag $0x1  }
0x1: {  	s1 =	rddreg [dreg:$0x0]  }
0x2: {  	s2 =	rddreg [dreg:$0x1]  }
0x3: {  	s9 =	rddreg [dreg:$0x2]  }
0x4: {  	s3 =	rddreg [dreg:$0x3]  }
0x5: {  	s4 =	rddreg [dreg:$0x4]  }
0x6: {  	s0 =	rddreg [dreg:$0x5]  }
0x7: {  	s6 =	simm.s32 $0x0;
	s7 =	srdreg.scid;
	s5 =	stileid.u32  }
0x8: {  	s14 =	simm.s32 $0x14C00;
	s15 =	simm.s32 $0x1;
	s16 =	simm.s32 $0x2  }
0x9: {  	s17 =	simm.s32 $0x3;
	s18 =	simm.s32 $0x0;
	[smem:$0x7FF] =	sst s6  }
0xa: {  	s10 =	sand.u32 $0x1, s7;
	s7 =	sadd.s32 $0x1000, s9;
	s12 =	sshll.u32 s5, $0x1  }
0xb: {  	s8 =	sadd.s32 $0xE00, s9;
	s9 =	sadd.s32 $0x1200, s9;
	s11 =	ssub.s32 $0x2, s10  }
0xc: {  	_ =	strace $0x80000047;
	s12 =	sor.u32 s10, s12;
	s13 =	sshrl.u32 s11, $0x1  }
0xd: {  	s10 =	smul.u32 $0xC, s12;
	p0 =	sne.s32 s12, $0x0;
	s11 =	ssub.s32 s11, s13  }
0xe: {  	s12 =	simm.s32 $0x4;
	s13 =	simm.s32 $0x1000;
	s11 =	smax.u32 s11, $0x1  }
.LBB2_1:
.Ltmp0:
0xf: {  	(pc) =	sbr.rel @p0 .LBB2_11-.Ltmp0, $4  }
0x10: {  	[tilespmem:s6], [sflag:$0x4] =	stream.linear.gather [hbm4b:s7+s6], $0x1000, $0x38;
	[tilespmem:$0x1CC00] =	vst v63  }
0x11: {  	_ =	swait.ge [sflag:s12], $0x1000  }
0x12: {  	[sflag:s12] =	ssyncset.done $0x0  }
0x13: {  	[sflag:s12] =	ssyncadd.s32 $0xFFFFF000  }
0x14: {  	s19 =	simm.s32 $0x10  }
0x15: {  	s22 =	sadd.s32 $0x0, s3;
	s20 =	simm.s32 $0x1400;
	s21 =	simm.s32 $0x1000  }
.LBB2_3:
0x16: {  	[tilespmem:s21], [sflag:$0x4] =	stream.linear.gather [hbm4b:s22+s6], $0x80, $0x38;
	[tilespmem:$0x1CC00] =	vst v63  }
0x17: {  	s22 =	smov.u32 s19;
	s21 =	smov.u32 s20;
	p1 =	sne.s32 s19, $0x4E0  }
.Ltmp1:
0x18: {  	s19 =	sadd.s32 $0x10, s19;
	(pc) =	sbr.rel @p1 .LBB2_3-.Ltmp1, $2  }
0x19: {  	_ =	sdelay $0x2  }
0x1a: {  	s20 =	sadd.s32 $0x400, s20;
	s22 =	sadd.s32 s22, s3  }
0x1b: {  	[tilespmem:s21], [sflag:$0x4] =	stream.linear.gather [hbm4b:s22+s6], $0x80, $0x38;
	[tilespmem:$0x1CC00] =	vst v63  }
0x1c: {  	_ =	swait.ge [sflag:s12], $0x2780  }
0x1d: {  	s19 =	simm.s32 $0x1080;
	s20 =	simm.s32 $0x10;
	[sflag:s12] =	ssyncset.done $0x0  }
0x1e: {  	s22 =	sadd.s32 $0x0, s8;
	s21 =	simm.s32 $0x1480;
	[sflag:s12] =	ssyncadd.s32 $0xFFFFD880  }
.LBB2_5:
0x1f: {  	[tilespmem:s19], [sflag:$0x4] =	stream.linear.gather [hbm4b:s22+s6], $0x80, $0x38;
	[tilespmem:$0x1CC00] =	vst v63  }
0x20: {  	s22 =	smov.u32 s20;
	s19 =	smov.u32 s21;
	p1 =	sne.s32 s20, $0x1F0  }
.Ltmp2:
0x21: {  	s20 =	sadd.s32 $0x10, s20;
	(pc) =	sbr.rel @p1 .LBB2_5-.Ltmp2, $2  }
0x22: {  	_ =	sdelay $0x2  }
0x23: {  	s21 =	sadd.s32 $0x400, s21;
	s22 =	sadd.s32 s22, s8  }
0x24: {  	[tilespmem:s19], [sflag:$0x4] =	stream.linear.gather [hbm4b:s22+s6], $0x80, $0x38;
	[tilespmem:$0x1CC00] =	vst v63  }
0x25: {  	_ =	swait.ge [sflag:s12], $0x1000  }
0x26: {  	[sflag:s12] =	ssyncset.done $0x0  }
0x27: {  	s21 =	simm.s32 $0x0;
	s20 =	simm.s32 $0x40;
	[sflag:s12] =	ssyncadd.s32 $0xFFFFF000  }
.LBB2_7:
0x28: {  	p1 =	sne.s32 s20, $0x3FC0;
	v0 =	vld [tilespmem:s21+$0x0];
	_ =	sdelay $0x4  }
0x29: {  	v1 =	vshrl.u32 v0, $0xE;
	v2 =	vshrl.u32 v0, $0xB  }
0x2a: {  	v1 =	vand.u32 $0x7F, v1;
	v2 =	vand.u32 $0x1FFC00, v2  }
0x2b: {  	vm0 =	vgt.s32 v0, $0xFFFFFFFF;
	v1 =	vor.u32 v1, v2  }
0x2c: {  	v1 =	vor.u32 $0x80, v1;
	_ =	sdelay $0x3  }
0x2d: {  	s19 =	simm.s32 $0x1000;
	v2 =	vshll.u32 v0, $0x3  }
0x2e: {  	v0 =	vand.u32 $0x7F, v0;
	v2 =	vand.u32 $0x1FC00, v2;
	v1 =	vld.idx.msk [tilespmem:v1+s19+$0x0], vm0  }
0x2f: {  	v0 =	vor.u32 v0, v2  }
.Ltmp3:
0x30: {  	(pc) =	sbr.rel @p1 .LBB2_7-.Ltmp3, $2  }
0x31: {  	_ =	sdelay $0x2  }
0x32: {  	s21 =	sshra.s32 s20, $0x2;
	s20 =	sadd.s32 $0x40, s20;
	[tilespmem:v0+s19+$0x0] =	vst.idx.msk vm0, v1  }
0x33: {  	v0 =	vld [tilespmem:s21+$0x0];
	_ =	sdelay $0x4  }
0x34: {  	v1 =	vshrl.u32 v0, $0xE;
	v2 =	vshrl.u32 v0, $0xB  }
0x35: {  	v1 =	vand.u32 $0x7F, v1;
	v2 =	vand.u32 $0x1FFC00, v2  }
0x36: {  	vm0 =	vgt.s32 v0, $0xFFFFFFFF;
	v1 =	vor.u32 v1, v2  }
0x37: {  	v1 =	vor.u32 $0x80, v1;
	_ =	sdelay $0x2  }
0x38: {  	v63 =	vshll.u32 v0, $0x3  }
0x39: {  	v0 =	vand.u32 $0x7F, v0;
	v2 =	vand.u32 $0x1FC00, v63  }
0x3a: {  	v0 =	vor.u32 v0, v2;
	v1 =	vld.idx.msk [tilespmem:v1+s19+$0x0], vm0;
	_ =	sdelay $0x4  }
0x3b: {  	s20 =	simm.s32 $0x10;
	s22 =	sadd.s32 $0x0, s9;
	s21 =	simm.s32 $0x1400;
	[tilespmem:v0+s19+$0x0] =	vst.idx.msk vm0, v1  }
.LBB2_9:
0x3c: {  	[hbm4b:s22+s6] =	stream.linear.scatter [tilespmem:s19], [sflag:$0x4], $0x80, $0x38;
	[tilespmem:$0x1CC00] =	vst v63  }
0x3d: {  	s22 =	smov.u32 s20;
	s19 =	smov.u32 s21;
	p1 =	sne.s32 s20, $0x4E0  }
.Ltmp4:
0x3e: {  	s20 =	sadd.s32 $0x10, s20;
	(pc) =	sbr.rel @p1 .LBB2_9-.Ltmp4, $2  }
0x3f: {  	_ =	sdelay $0x2  }
0x40: {  	s21 =	sadd.s32 $0x400, s21;
	s22 =	sadd.s32 s22, s9  }
0x41: {  	[hbm4b:s22+s6] =	stream.linear.scatter [tilespmem:s19], [sflag:$0x4], $0x80, $0x38;
	[tilespmem:$0x1CC00] =	vst v63  }
0x42: {  	_ =	swait.ge [sflag:s12], $0x2780  }
0x43: {  	[sflag:s12] =	ssyncset.done $0x0  }
0x44: {  	[sflag:s12] =	ssyncadd.s32 $0xFFFFD880  }
.LBB2_11:
0x45: {  	s19 =	simm.s32 $0x0;
	s20 =	simm.s32 $0x0  }
.LBB2_12:
0x46: {  	p1 =	seq.s32 s20, $0x0  }
0x47: {  	s23 =	sadd.s32 s10, s20;
	s22 =	simm.s32 @!p1 $0x3  }
0x48: {  	s21 =	smul.u32 $0x2780, s23;
	_ =	swait.ge @!p1 [sflag:s22], $0x13C00  }
0x49: {  	[sflag:s22] =	ssyncset.done @!p1 $0x0  }
0x4a: {  	s30 =	sshll.u32 s23, $0xC;
	s29 =	sadd.s32 s1, s21;
	[sflag:s22] =	ssyncadd.s32 @!p1 $0xFFFEC400  }
0x4b: {  	[tilespmem:s13], [sflag:$0x1] =	stream.linear.gather [hbm4b:s29+s19], $0x13C00, $0x38;
	[tilespmem:$0x1CC00] =	vst v63  }
0x4c: {  	s22 =	sadd.s32 s2, s30  }
0x4d: {  	[tilespmem:s14], [sflag:$0x2] =	stream.linear.gather [hbm4b:s22+s19], $0x8000, $0x38;
	[tilespmem:$0x1CC00] =	vst v63  }
0x4e: {  	_ =	swait.ge [sflag:s15], $0x13C00  }
0x4f: {  	[sflag:s15] =	ssyncset.done $0x0  }
0x50: {  	[sflag:s15] =	ssyncadd.s32 $0xFFFEC400  }
0x51: {  	_ =	swait.ge [sflag:s16], $0x8000  }
0x52: {  	[sflag:s16] =	ssyncset.done $0x0  }
0x53: {  	s31 =	simm.s32 $0x0;
	[sflag:s16] =	ssyncadd.s32 $0xFFFF8000  }
0x54: {  	v0 =	vld [tilespmem:s31+$0x0];
	_ =	sdelay $0x4  }
0x55: {  	v1 =	vshrl.u32 v0, $0xE;
	v2 =	vshrl.u32 v0, $0xB  }
0x56: {  	vm0 =	vgt.s32 v0, $0xFFFFFFFF;
	v1 =	vand.u32 $0x7F, v1;
	v2 =	vand.u32 $0x1FFC00, v2  }
0x57: {  	v1 =	vor.u32 v1, v2;
	_ =	sdelay $0x2  }
0x58: {  	v2 =	vshll.u32 v0, $0x3  }
0x59: {  	v0 =	vand.u32 $0x7F, v0;
	v2 =	vand.u32 $0x1FC00, v2  }
0x5a: {  	v2 =	vor.u32 v0, v2;
	v3 =	vld.idx.msk [tilespmem:v1+s14+$0x0], vm0  }
0x5b: {  	v0 =	vor.u32 $0x80, v1;
	_ =	sdelay $0x3  }
0x5c: {  	[tilespmem:v2+s13+$0x0] =	vst.idx.msk vm0, v3  }
0x5d: {  	v3 =	vor.u32 $0x80, v2;
	v0 =	vld.idx.msk [tilespmem:v0+s14+$0x0], vm0  }
0x5e: {  	v4 =	vor.u32 $0x100, v1;
	_ =	sdelay $0x3  }
0x5f: {  	[tilespmem:v3+s13+$0x0] =	vst.idx.msk vm0, v0  }
0x60: {  	v3 =	vor.u32 $0x100, v2;
	v0 =	vld.idx.msk [tilespmem:v4+s14+$0x0], vm0  }
0x61: {  	v60 =	vor.u32 $0x180, v1;
	_ =	sdelay $0x3  }
0x62: {  	[tilespmem:v3+s13+$0x0] =	vst.idx.msk vm0, v0  }
0x63: {  	v3 =	vor.u32 $0x180, v2;
	v0 =	vld.idx.msk [tilespmem:v60+s14+$0x0], vm0  }
0x64: {  	v61 =	vor.u32 $0x200, v1;
	_ =	sdelay $0x3  }
0x65: {  	[tilespmem:v3+s13+$0x0] =	vst.idx.msk vm0, v0  }
0x66: {  	v3 =	vor.u32 $0x200, v2;
	v0 =	vld.idx.msk [tilespmem:v61+s14+$0x0], vm0  }
0x67: {  	v62 =	vor.u32 $0x280, v1;
	_ =	sdelay $0x3  }
0x68: {  	[tilespmem:v3+s13+$0x0] =	vst.idx.msk vm0, v0  }
0x69: {  	v3 =	vor.u32 $0x280, v2;
	v0 =	vld.idx.msk [tilespmem:v62+s14+$0x0], vm0  }
0x6a: {  	v63 =	vor.u32 $0x300, v1;
	_ =	sdelay $0x3  }
0x6b: {  	[tilespmem:v3+s13+$0x0] =	vst.idx.msk vm0, v0  }
0x6c: {  	v3 =	vor.u32 $0x300, v2;
	v0 =	vld.idx.msk [tilespmem:v63+s14+$0x0], vm0  }
0x6d: {  	v1 =	vor.u32 $0x380, v1;
	_ =	sdelay $0x3  }
0x6e: {  	[tilespmem:v3+s13+$0x0] =	vst.idx.msk vm0, v0  }
0x6f: {  	s23 =	simm.s32 $0x80;
	s22 =	simm.s32 $0x40;
	v0 =	vld.idx.msk [tilespmem:v1+s14+$0x0], vm0;
	v1 =	vor.u32 $0x380, v2  }
.LBB2_13:
0x70: {  	_ =	sdelay $0x2  }
0x71: {  	p1 =	sne.s32 s23, $0x3FC0  }
0x72: {  	s24 =	sshra.s32 s22, $0x2;
	s22 =	smov.u32 s23;
	s23 =	sadd.s32 $0x40, s23;
	[tilespmem:v1+s13+$0x0] =	vst.idx.msk vm0, v0  }
0x73: {  	v0 =	vld [tilespmem:s24+$0x0];
	_ =	sdelay $0x4  }
0x74: {  	v1 =	vshrl.u32 v0, $0xE;
	v2 =	vshrl.u32 v0, $0xB;
	v3 =	vshll.u32 v0, $0x3  }
0x75: {  	vm0 =	vgt.s32 v0, $0xFFFFFFFF;
	v1 =	vand.u32 $0x7F, v1;
	v2 =	vand.u32 $0x1FFC00, v2  }
0x76: {  	v1 =	vor.u32 v1, v2;
	v2 =	vand.u32 $0x1FC00, v3;
	_ =	sdelay $0x4  }
0x77: {  	v0 =	vand.u32 $0x7F, v0;
	v3 =	vld.idx.msk [tilespmem:v1+s14+$0x0], vm0  }
0x78: {  	v2 =	vor.u32 v0, v2  }
0x79: {  	v0 =	vor.u32 $0x80, v1;
	_ =	sdelay $0x3  }
0x7a: {  	[tilespmem:v2+s13+$0x0] =	vst.idx.msk vm0, v3  }
0x7b: {  	v0 =	vld.idx.msk [tilespmem:v0+s14+$0x0], vm0  }
0x7c: {  	v3 =	vor.u32 $0x80, v2  }
0x7d: {  	v4 =	vor.u32 $0x100, v1;
	_ =	sdelay $0x3  }
0x7e: {  	[tilespmem:v3+s13+$0x0] =	vst.idx.msk vm0, v0  }
0x7f: {  	v0 =	vld.idx.msk [tilespmem:v4+s14+$0x0], vm0  }
0x80: {  	v3 =	vor.u32 $0x100, v2  }
0x81: {  	v4 =	vor.u32 $0x180, v1;
	_ =	sdelay $0x3  }
0x82: {  	[tilespmem:v3+s13+$0x0] =	vst.idx.msk vm0, v0  }
0x83: {  	v0 =	vld.idx.msk [tilespmem:v4+s14+$0x0], vm0  }
0x84: {  	v3 =	vor.u32 $0x180, v2  }
0x85: {  	v4 =	vor.u32 $0x200, v1;
	_ =	sdelay $0x3  }
0x86: {  	[tilespmem:v3+s13+$0x0] =	vst.idx.msk vm0, v0  }
0x87: {  	v0 =	vld.idx.msk [tilespmem:v4+s14+$0x0], vm0  }
0x88: {  	v3 =	vor.u32 $0x200, v2  }
0x89: {  	v4 =	vor.u32 $0x280, v1;
	_ =	sdelay $0x3  }
0x8a: {  	[tilespmem:v3+s13+$0x0] =	vst.idx.msk vm0, v0  }
0x8b: {  	v0 =	vld.idx.msk [tilespmem:v4+s14+$0x0], vm0  }
0x8c: {  	v3 =	vor.u32 $0x280, v2  }
0x8d: {  	v4 =	vor.u32 $0x300, v1;
	_ =	sdelay $0x3  }
0x8e: {  	[tilespmem:v3+s13+$0x0] =	vst.idx.msk vm0, v0  }
0x8f: {  	v0 =	vld.idx.msk [tilespmem:v4+s14+$0x0], vm0  }
0x90: {  	v3 =	vor.u32 $0x300, v2  }
0x91: {  	v1 =	vor.u32 $0x380, v1;
	_ =	sdelay $0x1  }
.Ltmp5:
0x92: {  	(pc) =	sbr.rel @p1 .LBB2_13-.Ltmp5, $4  }
0x93: {  	_ = 	snop  }
0x94: {  	[tilespmem:v3+s13+$0x0] =	vst.idx.msk vm0, v0  }
0x95: {  	v0 =	vld.idx.msk [tilespmem:v1+s14+$0x0], vm0  }
0x96: {  	v1 =	vor.u32 $0x380, v2  }
0x97: {  	_ =	sdelay $0x4  }
0x98: {  	s22 =	sshra.s32 s22, $0x2;
	[tilespmem:v1+s13+$0x0] =	vst.idx.msk vm0, v0  }
0x99: {  	v0 =	vld [tilespmem:s22+$0x0];
	_ =	sdelay $0x4  }
0x9a: {  	v51 =	vshrl.u32 v0, $0xE;
	v2 =	vshrl.u32 v0, $0xB  }
0x9b: {  	vm15 =	vgt.s32 v0, $0xFFFFFFFF;
	v1 =	vand.u32 $0x7F, v51;
	v2 =	vand.u32 $0x1FFC00, v2  }
0x9c: {  	v1 =	vor.u32 v1, v2;
	_ =	sdelay $0x2  }
0x9d: {  	v52 =	vshll.u32 v0, $0x3  }
0x9e: {  	v0 =	vand.u32 $0x7F, v0;
	v2 =	vand.u32 $0x1FC00, v52  }
0x9f: {  	v0 =	vor.u32 v0, v2;
	v3 =	vld.idx.msk [tilespmem:v1+s14+$0x0], vm15  }
0xa0: {  	v53 =	vor.u32 $0x80, v1;
	_ =	sdelay $0x3  }
0xa1: {  	[tilespmem:v0+s13+$0x0] =	vst.idx.msk vm15, v3  }
0xa2: {  	v54 =	vor.u32 $0x80, v0;
	v2 =	vld.idx.msk [tilespmem:v53+s14+$0x0], vm15  }
0xa3: {  	v4 =	vor.u32 $0x100, v1;
	_ =	sdelay $0x3  }
0xa4: {  	[tilespmem:v54+s13+$0x0] =	vst.idx.msk vm15, v2  }
0xa5: {  	v55 =	vor.u32 $0x100, v0;
	v2 =	vld.idx.msk [tilespmem:v4+s14+$0x0], vm15  }
0xa6: {  	v56 =	vor.u32 $0x180, v1;
	_ =	sdelay $0x3  }
0xa7: {  	[tilespmem:v55+s13+$0x0] =	vst.idx.msk vm15, v2  }
0xa8: {  	v57 =	vor.u32 $0x180, v0;
	v2 =	vld.idx.msk [tilespmem:v56+s14+$0x0], vm15  }
0xa9: {  	v58 =	vor.u32 $0x200, v1;
	_ =	sdelay $0x3  }
0xaa: {  	[tilespmem:v57+s13+$0x0] =	vst.idx.msk vm15, v2  }
0xab: {  	v59 =	vor.u32 $0x200, v0;
	v2 =	vld.idx.msk [tilespmem:v58+s14+$0x0], vm15  }
0xac: {  	v60 =	vor.u32 $0x280, v1;
	_ =	sdelay $0x3  }
0xad: {  	[tilespmem:v59+s13+$0x0] =	vst.idx.msk vm15, v2  }
0xae: {  	v61 =	vor.u32 $0x280, v0;
	v2 =	vld.idx.msk [tilespmem:v60+s14+$0x0], vm15  }
0xaf: {  	v62 =	vor.u32 $0x300, v1;
	_ =	sdelay $0x3  }
0xb0: {  	[tilespmem:v61+s13+$0x0] =	vst.idx.msk vm15, v2  }
0xb1: {  	v63 =	vor.u32 $0x300, v0;
	v2 =	vld.idx.msk [tilespmem:v62+s14+$0x0], vm15  }
0xb2: {  	v1 =	vor.u32 $0x380, v1;
	_ =	sdelay $0x3  }
0xb3: {  	[tilespmem:v63+s13+$0x0] =	vst.idx.msk vm15, v2  }
0xb4: {  	s20 =	sadd.s32 $0x1, s20;
	v0 =	vor.u32 $0x380, v0;
	v1 =	vld.idx.msk [tilespmem:v1+s14+$0x0], vm15  }
0xb5: {  	p1 =	sne.s32 s20, $0xC  }
.Ltmp6:
0xb6: {  	_ = 	snop;
	(pc) =	sbr.rel @p1 .LBB2_12-.Ltmp6, $3  }
0xb7: {  	_ =	sdelay $0x1  }
0xb8: {  	s21 =	sadd.s32 s4, s21;
	[tilespmem:v0+s13+$0x0] =	vst.idx.msk vm15, v1  }
0xb9: {  	[hbm4b:s21+s6] =	stream.linear.scatter [tilespmem:s13], [sflag:$0x3], $0x13C00, $0x38;
	[tilespmem:$0x1CC00] =	vst v63  }
0xba: {  	s18 =	sadd.s32 $0x1, s18  }
0xbb: {  	p1 =	sne.s32 s18, s11  }
.Ltmp7:
0xbc: {  	_ = 	snop;
	(pc) =	sbr.rel @p1 .LBB2_1-.Ltmp7, $4  }
0xbd: {  	_ = 	snop  }
0xbe: {  	_ =	swait.ge [sflag:s17], $0x13C00  }
0xbf: {  	[sflag:s17] =	ssyncset.done $0x0  }
0xc0: {  	[sflag:s17] =	ssyncadd.s32 $0xFFFEC400  }
0xc1: {  	_ =	sfence.sel $0x180000  }
0xc2: {  	[bflag:$0x0] =	sbarrier.arrive $0xFFFF  }
0xc3: {  	p0 =	sne.s32 s5, $0x0;
	_ =	strace $0x90000047  }
0xc4: {  	s0 =	sadd.s32 @!p0 $0x100000, s0;
	[bflag:$0x2] =	sbarrier.arrive $0xFFFF  }
0xc5: {  	[sflag:s0] =	ssyncadd.tile.s32 @!p0 $0x1;
	_ =	shalt  }
.Lfunc_end2:
_tile_overlayer_lowered:
.L_overlay_start_2:
0xc6: {  	(tag) =	ssettag $0x2  }
0xc7: {  	s0 =	rddreg [dreg:$0x0];
	s2 =	stileid.u32  }
0xc8: {  	s1 =	rddreg [dreg:$0x1];
	p0 =	sne.s32 s2, $0x0  }
0xc9: {  	s3 =	rddreg [dreg:$0x2];
	[bflag:$0x3] =	sbarrier.arrive $0xFFFF;
	s2 =	simm.s32 @!p0 $0x1C04  }
0xca: {  	[timem:s3], [sflag:s2] =	dma.local @!p0 [hbm:s0], s1  }
0xcb: {  	s0 =	simm.s32 @!p0 $0x4  }
0xcc: {  	_ =	swait.ge @!p0 [sflag:s0], s1  }
0xcd: {  	s1 =	ssub.s32 @!p0 $0x0, s1;
	[sflag:s0] =	ssyncset.done @!p0 $0x0  }
0xce: {  	[sflag:s0] =	ssyncadd.s32 @!p0 s1  }
0xcf: {  	[bflag:$0x3] =	sbarrier.arrive $0xFFFF  }
0xd0: {  	_ =	shalt  }

</sc_bundles>
